<compile_context>
chip_gen: v7x
topology: tpu7x:2x2x1
jax: 0.10.2.dev20260603
libtpu: 0.0.44.dev20260713+nightly
codegen_flags: <defaults>
</compile_context>

<pallas_src>
import functools

import jax
import jax.numpy as jnp
import numpy as np
from jax import lax
from jax.experimental import pallas as pl
from jax.experimental.pallas import tpu as pltpu
from jax.experimental.pallas import tpu_sc as plsc

N = 50000
E = 800000
G = 128
H = 64
HEADS = 4
DH = 16
OUT = 128
PE = 10
L = 3

BN = 1000
NBLK = N // BN
BE = 6400
EBLK = E // BE

NC = 2
NS = 16
NW = NC * NS
CG = 256
CW = 256
WIN = 12160
NWIN = 5
UROWS = WIN * NWIN
ACC_ROWS = WIN + 8
ZR = WIN // NS

_HI = jax.lax.Precision.HIGHEST


def _dot(a, b):
    return jnp.dot(a, b, preferred_element_type=jnp.float32, precision=_HI)


def _encoder_body(x_ref, lap_ref, rw_ref, at_ref, sW1, sb1, sW2, sb2,
                  rW1, rb1, rW2, rb2, h_ref):
    h = jnp.zeros((BN, H), jnp.float32)
    iota100 = lax.broadcasted_iota(jnp.int32, (BN, 100), 1)
    for i in range(9):
        oh = (x_ref[i, 0, 0, :][:, None] == iota100).astype(jnp.float32)
        h = h + _dot(oh, at_ref[i])
    lap = jnp.concatenate([lap_ref[k, 0, 0, :][:, None] for k in range(PE)], axis=1)
    rws = jnp.concatenate([rw_ref[k, 0, 0, :][:, None] for k in range(PE)], axis=1)
    pe = (_dot(jax.nn.relu(_dot(lap, sW1[...]) + sb1[...]), sW2[...]) + sb2[...]
          + _dot(jax.nn.relu(_dot(-lap, sW1[...]) + sb1[...]), sW2[...]) + sb2[...])
    rw = _dot(jax.nn.relu(_dot(rws, rW1[...]) + rb1[...]), rW2[...]) + rb2[...]
    h_ref[...] = h + pe + rw


def _encode(xT, lapT, rwT, atom_tables, sW1, sb1, sW2, sb2, rW1, rb1, rW2, rb2):
    full2 = lambda a: pl.BlockSpec(a.shape, lambda i: (0,) * a.ndim)
    args = (xT, lapT, rwT, atom_tables, sW1, sb1, sW2, sb2, rW1, rb1, rW2, rb2)
    in_specs = [pl.BlockSpec((9, 1, 1, BN), lambda i: (0, i, 0, 0)),
                pl.BlockSpec((PE, 1, 1, BN), lambda i: (0, i, 0, 0)),
                pl.BlockSpec((PE, 1, 1, BN), lambda i: (0, i, 0, 0))] \
        + [full2(a) for a in args[3:]]
    return pl.pallas_call(
        _encoder_body,
        grid=(NBLK,),
        in_specs=in_specs,
        out_specs=pl.BlockSpec((BN, H), lambda i: (i, 0)),
        out_shape=jax.ShapeDtypeStruct((N, H), jnp.float32),
    )(*args)


def _wdix_body(es_ref, ed_ref, ea_ref, os_, od_, o0, o1, o2, o3, o4, oc):
    s = es_ref[0, 0, 0, :]
    d = ed_ref[0, 0, 0, :]
    os_[0, 0, :] = s
    od_[0, 0, :] = d
    for w, o in enumerate((o0, o1, o2, o3, o4)):
        lo = w * WIN
        inw = (d >= lo) & (d < lo + WIN)
        o[0, 0, :] = jnp.where(inw, d - lo, WIN)
    oc[0, 0, :] = (ea_ref[0, 0, 0, :] * 9 + ea_ref[1, 0, 0, :] * 3
                   + ea_ref[2, 0, 0, :])


def _wdix(ei4, eaT):
    spec = pl.BlockSpec((1, 1, BE), lambda i: (i, 0, 0))
    return pl.pallas_call(
        _wdix_body,
        grid=(EBLK,),
        in_specs=[pl.BlockSpec((1, 1, 1, BE), lambda i: (0, i, 0, 0)),
                  pl.BlockSpec((1, 1, 1, BE), lambda i: (1, i, 0, 0)),
                  pl.BlockSpec((3, 1, 1, BE), lambda i: (0, i, 0, 0))],
        out_specs=[spec] * (NWIN + 3),
        out_shape=[jax.ShapeDtypeStruct((EBLK, 1, BE), jnp.int32)] * (NWIN + 3),
    )(ei4, ei4, eaT)


def _finalize(Ub, sk):
    Us = Ub[0] + Ub[1]
    agg = Us[:, H:].reshape(BN, HEADS, DH)
    den = Us[:, :HEADS].reshape(BN, HEADS, 1) + 1e-16
    return jax.nn.relu((agg / den).reshape(BN, H) + sk)


def _etab(b0, b1, b2, We, be):
    i27 = lax.broadcasted_iota(jnp.int32, (27, 1), 0)
    oh0 = ((i27 // 9) == lax.broadcasted_iota(jnp.int32, (27, 5), 1)).astype(jnp.float32)
    oh1 = (((i27 // 3) % 3) == lax.broadcasted_iota(jnp.int32, (27, 3), 1)).astype(jnp.float32)
    oh2 = ((i27 % 3) == lax.broadcasted_iota(jnp.int32, (27, 3), 1)).astype(jnp.float32)
    eemb = _dot(oh0, b0) + _dot(oh1, b1) + _dot(oh2, b2)
    e = _dot(eemb, We) + be
    ee = jnp.concatenate([e, e], axis=1)
    return jnp.concatenate([ee, jnp.zeros((5, 2 * H), jnp.float32)], axis=0)


def _dense_body(first, h_or_U, sk_ref, Wq, bq, Wk, bk, Wv, bv,
                Wsk, bsk, b0, b1, b2, We, be,
                qn_ref, kvn_ref, sk_out, et_ref):
    if first:
        h = h_or_U[...]
    else:
        h = _finalize(h_or_U[...], sk_ref[...])
    q = _dot(h, Wq[...]) + bq[...]
    qn_ref[...] = jnp.concatenate([q, jnp.zeros((BN, H), jnp.float32)], axis=1)
    k = _dot(h, Wk[...]) + bk[...]
    v = _dot(h, Wv[...]) + bv[...]
    kvn_ref[...] = jnp.concatenate([k, v], axis=1)
    sk_out[...] = _dot(h, Wsk[...]) + bsk[...]

    @pl.when(pl.program_id(0) == 0)
    def _():
        et_ref[...] = _etab(b0[...], b1[...], b2[...], We[...], be[...])


def _dense(first, hU, sk, Wq, bq, Wk, bk, Wv, bv, Wsk, bsk, b0, b1, b2, We, be):
    full = lambda a: pl.BlockSpec(a.shape, lambda i: (0,) * a.ndim)
    if first:
        spec0 = pl.BlockSpec((BN, H), lambda i: (i, 0))
    else:
        spec0 = pl.BlockSpec((2, BN, 2 * H), lambda i: (0, i, 0))
    args = (hU, sk, Wq, bq, Wk, bk, Wv, bv, Wsk, bsk, b0, b1, b2, We, be)
    in_specs = [spec0,
                pl.BlockSpec((BN, H), lambda i: (i, 0))] + [full(a) for a in args[2:]]
    return pl.pallas_call(
        functools.partial(_dense_body, first),
        grid=(NBLK,),
        in_specs=in_specs,
        out_specs=[pl.BlockSpec((BN, 2 * H), lambda i: (i, 0)),
                   pl.BlockSpec((BN, 2 * H), lambda i: (i, 0)),
                   pl.BlockSpec((BN, H), lambda i: (i, 0)),
                   pl.BlockSpec((32, 2 * H), lambda i: (0, 0))],
        out_shape=[jax.ShapeDtypeStruct((N, 2 * H), jnp.float32),
                   jax.ShapeDtypeStruct((N, 2 * H), jnp.float32),
                   jax.ShapeDtypeStruct((N, H), jnp.float32),
                   jax.ShapeDtypeStruct((32, 2 * H), jnp.float32)],
    )(*args)


def _sc_mesh():
    return plsc.VectorSubcoreMesh(core_axis_name="c", subcore_axis_name="s")


@jax.jit
def _sc_gather(qn, kvn, src, dst):
    @functools.partial(
        pl.kernel, mesh=_sc_mesh(),
        out_type=[jax.ShapeDtypeStruct((E, 2 * H), jnp.float32),
                  jax.ShapeDtypeStruct((E, 2 * H), jnp.float32)],
        scratch_types=[pltpu.VMEM((CG,), jnp.int32),
                       pltpu.VMEM((CG, 2 * H), jnp.float32),
                       pltpu.VMEM((CG,), jnp.int32),
                       pltpu.VMEM((CG, 2 * H), jnp.float32),
                       pltpu.SemaphoreType.DMA],
    )
    def gath(qn_hbm, kvn_hbm, src_hbm, dst_hbm, qe_hbm, kve_hbm,
             idxq, qbuf, idxkv, kvbuf, sem):
        wid = lax.axis_index("s") * NC + lax.axis_index("c")

        @pl.loop(wid, EBLK, step=NW)
        def _(b):
            @pl.loop(0, BE, step=CG)
            def _(k):
                off = b * BE + k
                pltpu.sync_copy(dst_hbm.at[b, 0, pl.ds(k, CG)], idxq)
                pltpu.async_copy(qn_hbm.at[idxq], qbuf, sem).wait()
                pltpu.sync_copy(qbuf, qe_hbm.at[pl.ds(off, CG)])
                pltpu.sync_copy(src_hbm.at[b, 0, pl.ds(k, CG)], idxkv)
                pltpu.async_copy(kvn_hbm.at[idxkv], kvbuf, sem).wait()
                pltpu.sync_copy(kvbuf, kve_hbm.at[pl.ds(off, CG)])

    return gath(qn, kvn, src, dst)


def _edge_body(qe_ref, kve_ref, c_ref, et_ref, wv_ref):
    qp = qe_ref[...]
    kv = kve_ref[...]
    c = c_ref[0, 0, :]
    oh = (c[:, None] == lax.broadcasted_iota(jnp.int32, (BE, 32), 1)).astype(jnp.float32)
    kv = kv + jnp.dot(oh, et_ref[...], preferred_element_type=jnp.float32)
    prod = qp * kv
    di = lax.broadcasted_iota(jnp.int32, (2 * H, 2 * HEADS), 0)
    hi = lax.broadcasted_iota(jnp.int32, (2 * H, 2 * HEADS), 1)
    M = ((di < H) & (di // DH == hi)).astype(jnp.float32)
    alpha8 = jnp.dot(prod, M, preferred_element_type=jnp.float32) * (1.0 / np.sqrt(DH))
    ex8 = jnp.exp(alpha8)
    cmask = lax.broadcasted_iota(jnp.int32, (BE, 2 * HEADS), 1) < HEADS
    ex8 = jnp.where(cmask, ex8, 0.0)
    hj = lax.broadcasted_iota(jnp.int32, (2 * HEADS, 2 * H), 0)
    jj = lax.broadcasted_iota(jnp.int32, (2 * HEADS, 2 * H), 1)
    S = ((hj < HEADS) & ((jj == hj) | ((jj >= H) & ((jj - H) // DH == hj)))
         ).astype(jnp.float32)
    exb = jnp.dot(ex8, S, preferred_element_type=jnp.float32)
    ji = lax.broadcasted_iota(jnp.int32, (BE, 2 * H), 1)
    t = jnp.where(ji < H, 1.0, kv)
    wv_ref[...] = exb * t


def _edge(qe, kve, c3, et):
    return pl.pallas_call(
        _edge_body,
        grid=(EBLK,),
        in_specs=[pl.BlockSpec((BE, 2 * H), lambda i: (i, 0)),
                  pl.BlockSpec((BE, 2 * H), lambda i: (i, 0)),
                  pl.BlockSpec((1, 1, BE), lambda i: (i, 0, 0)),
                  pl.BlockSpec((32, 2 * H), lambda i: (0, 0))],
        out_specs=pl.BlockSpec((BE, 2 * H), lambda i: (i, 0)),
        out_shape=jax.ShapeDtypeStruct((E, 2 * H), jnp.float32),
    )(qe, kve, c3, et)


@jax.jit
def _sc_scatter(wv, i0, i1, i2, i3, i4, zrows):
    @functools.partial(
        pl.kernel, mesh=_sc_mesh(),
        out_type=jax.ShapeDtypeStruct((2, UROWS, 2 * H), jnp.float32),
        scratch_types=[pltpu.VMEM_SHARED((ACC_ROWS, 2 * H), jnp.float32),
                       pltpu.VMEM((CW,), jnp.int32),
                       pltpu.VMEM((CW, 2 * H), jnp.float32)],
    )
    def scat(wv_hbm, i0_hbm, i1_hbm, i2_hbm, i3_hbm, i4_hbm, z_hbm, U_hbm,
             acc, idx_v, row_v):
        cid = lax.axis_index("c")
        sid = lax.axis_index("s")
        lo_b = cid * 62

        for w, iw_hbm in enumerate((i0_hbm, i1_hbm, i2_hbm, i3_hbm, i4_hbm)):
            pltpu.sync_copy(z_hbm, acc.at[pl.ds(sid * ZR, ZR)])
            plsc.subcore_barrier()

            @pl.loop(lo_b + sid, lo_b + 62 + cid, step=NS)
            def _(b):
                @pl.loop(0, BE, step=CW)
                def _(k):
                    pltpu.sync_copy(iw_hbm.at[b, 0, pl.ds(k, CW)], idx_v)
                    pltpu.sync_copy(wv_hbm.at[pl.ds(b * BE + k, CW)], row_v)
                    pltpu.sync_copy(row_v, acc.at[idx_v], add=True)

            plsc.subcore_barrier()
            pltpu.sync_copy(acc.at[pl.ds(sid * ZR, ZR)],
                            U_hbm.at[cid, pl.ds(w * WIN + sid * ZR, ZR)])
            plsc.subcore_barrier()

    return scat(wv, i0, i1, i2, i3, i4, zrows)


def _pool_body(U_ref, sk_ref, b_ref, fcW, fcb, o_ref, acc, cnt):
    i = pl.program_id(0)

    @pl.when(i == 0)
    def _():
        acc[...] = jnp.zeros((G, H), jnp.float32)
        cnt[...] = jnp.zeros((1, G), jnp.float32)

    h = _finalize(U_ref[...], sk_ref[...])
    oh = (b_ref[0, 0, :][:, None] == lax.broadcasted_iota(jnp.int32, (BN, G), 1)
          ).astype(jnp.float32)
    acc[...] += lax.dot_general(oh, h, (((0,), (0,)), ((), ())),
                                preferred_element_type=jnp.float32, precision=_HI)
    cnt[...] += oh.sum(axis=0, keepdims=True)

    @pl.when(i == NBLK - 1)
    def _():
        pooled = acc[...] / jnp.maximum(cnt[...], 1.0).reshape(G, 1)
        o_ref[...] = _dot(pooled, fcW[...]) + fcb[...]


def _pool(U, sk, batch3, fc_W, fc_b):
    return pl.pallas_call(
        _pool_body,
        grid=(NBLK,),
        in_specs=[pl.BlockSpec((2, BN, 2 * H), lambda i: (0, i, 0)),
                  pl.BlockSpec((BN, H), lambda i: (i, 0)),
                  pl.BlockSpec((1, 1, BN), lambda i: (i, 0, 0)),
                  pl.BlockSpec((H, OUT), lambda i: (0, 0)),
                  pl.BlockSpec((1, OUT), lambda i: (0, 0))],
        out_specs=pl.BlockSpec((G, OUT), lambda i: (0, 0)),
        out_shape=jax.ShapeDtypeStruct((G, OUT), jnp.float32),
        scratch_shapes=[pltpu.VMEM((G, H), jnp.float32),
                        pltpu.VMEM((1, G), jnp.float32)],
    )(U, sk, batch3, fc_W, fc_b)


def kernel(x, lap_pe, rwse, edge_index, edge_attr, batch, atom_tables,
           sign_W1, sign_b1, sign_W2, sign_b2, rw_W1, rw_b1, rw_W2, rw_b2,
           bond_t0, bond_t1, bond_t2, Wq, bq, Wk, bk, Wv, bv, We, be,
           Wskip, bskip, fc_W, fc_b):
    r1 = lambda a: a.reshape(1, -1)
    ei4 = edge_index.reshape(2, EBLK, 1, BE)
    eaT = edge_attr.T.reshape(3, EBLK, 1, BE)
    xT = x.T.reshape(9, NBLK, 1, BN)
    lapT = lap_pe.T.reshape(PE, NBLK, 1, BN)
    rwT = rwse.T.reshape(PE, NBLK, 1, BN)
    zrows = jnp.zeros((ZR, 2 * H), jnp.float32)
    batch3 = batch.reshape(NBLK, 1, BN)

    src3, dst3, *rest = _wdix(ei4, eaT)
    iw, c3 = rest[:NWIN], rest[NWIN]

    h = _encode(xT, lapT, rwT, atom_tables,
                sign_W1, r1(sign_b1), sign_W2, r1(sign_b2),
                rw_W1, r1(rw_b1), rw_W2, r1(rw_b2))

    U = jnp.zeros((2, UROWS, 2 * H), jnp.float32)
    sk = jnp.zeros((N, H), jnp.float32)
    for l in range(L):
        first = (l == 0)
        qn, kvn, sk, et = _dense(first, h if first else U, sk,
                                 Wq[l], r1(bq[l]), Wk[l], r1(bk[l]),
                                 Wv[l], r1(bv[l]), Wskip[l], r1(bskip[l]),
                                 bond_t0, bond_t1, bond_t2, We[l], r1(be[l]))
        qe, kve = _sc_gather(qn, kvn, src3, dst3)
        wv = _edge(qe, kve, c3, et)
        U = _sc_scatter(wv, *iw, zrows)

    return _pool(U, sk, batch3, fc_W, r1(fc_b))

# --- scband reference (transcript-rebuilt; emitter-appended) ---
"""Pipeline reference for scband-graph-transformer-30116310679881 (READ-ONLY COPY).

The authoritative reference and input builder live on the scoring server;
editing this copy changes nothing except your own understanding.
"""

import jax, jax.numpy as jnp
import numpy as np

N = 50000
E = 800000
G = 128
H = 64
HEADS = 4
DH = 16
OUT = 128
PE = 10
L = 3


def setup_inputs(seed: int = 0) -> dict:
    key = jax.random.key(seed)
    ks = jax.random.split(key, 24)
    s = 0.05
    inp = {}
    inp["x"] = jax.random.randint(ks[0], (N, 9), 0, 100)
    inp["lap_pe"] = jax.random.normal(ks[1], (N, PE), dtype=jnp.float32)
    inp["rwse"] = jax.random.uniform(ks[2], (N, PE), dtype=jnp.float32)
    inp["edge_index"] = jax.random.randint(ks[3], (2, E), 0, N)
    inp["edge_attr"] = jax.random.randint(ks[4], (E, 3), 0, 3)
    inp["batch"] = jnp.sort(jax.random.randint(ks[5], (N,), 0, G))
    inp["atom_tables"] = jax.random.normal(ks[6], (9, 100, H)) * s
    inp["sign_W1"] = jax.random.normal(ks[7], (PE, H)) * s
    inp["sign_b1"] = jnp.zeros((H,), jnp.float32)
    inp["sign_W2"] = jax.random.normal(ks[8], (H, H)) * s
    inp["sign_b2"] = jnp.zeros((H,), jnp.float32)
    inp["rw_W1"] = jax.random.normal(ks[9], (PE, H)) * s
    inp["rw_b1"] = jnp.zeros((H,), jnp.float32)
    inp["rw_W2"] = jax.random.normal(ks[10], (H, H)) * s
    inp["rw_b2"] = jnp.zeros((H,), jnp.float32)
    inp["bond_t0"] = jax.random.normal(ks[11], (5, H)) * s
    inp["bond_t1"] = jax.random.normal(ks[12], (3, H)) * s
    inp["bond_t2"] = jax.random.normal(ks[13], (3, H)) * s
    inp["Wq"] = jax.random.normal(ks[14], (L, H, H)) * s
    inp["bq"] = jnp.zeros((L, H), jnp.float32)
    inp["Wk"] = jax.random.normal(ks[15], (L, H, H)) * s
    inp["bk"] = jnp.zeros((L, H), jnp.float32)
    inp["Wv"] = jax.random.normal(ks[16], (L, H, H)) * s
    inp["bv"] = jnp.zeros((L, H), jnp.float32)
    inp["We"] = jax.random.normal(ks[17], (L, H, H)) * s
    inp["be"] = jnp.zeros((L, H), jnp.float32)
    inp["Wskip"] = jax.random.normal(ks[18], (L, H, H)) * s
    inp["bskip"] = jnp.zeros((L, H), jnp.float32)
    inp["fc_W"] = jax.random.normal(ks[19], (H, OUT)) * s
    inp["fc_b"] = jnp.zeros((OUT,), jnp.float32)
    return inp


def _mlp(p, W1, b1, W2, b2):
    return jax.nn.relu(p @ W1 + b1) @ W2 + b2


def _tconv(h, src, dst, eemb, Wq, bq, Wk, bk, Wv, bv, We, be, Wskip, bskip):
    q = (h @ Wq + bq).reshape(N, HEADS, DH)
    k = ((h @ Wk + bk)[src]).reshape(E, HEADS, DH)
    v = ((h @ Wv + bv)[src]).reshape(E, HEADS, DH)
    e = (eemb @ We + be).reshape(E, HEADS, DH)
    k = k + e
    v = v + e
    alpha = (q[dst] * k).sum(-1) / jnp.sqrt(jnp.float32(DH))
    amax = jax.lax.stop_gradient(jax.ops.segment_max(alpha, dst, num_segments=N))
    amax = jnp.where(jnp.isfinite(amax), amax, 0.0)
    ex = jnp.exp(alpha - amax[dst])
    denom = jax.ops.segment_sum(ex, dst, num_segments=N)
    attn = ex / (denom[dst] + 1e-16)
    agg = jax.ops.segment_sum(v * attn[..., None], dst, num_segments=N).reshape(N, H)
    return agg + h @ Wskip + bskip


def reference(x, lap_pe, rwse, edge_index, edge_attr, batch, atom_tables,
              sign_W1, sign_b1, sign_W2, sign_b2, rw_W1, rw_b1, rw_W2, rw_b2,
              bond_t0, bond_t1, bond_t2, Wq, bq, Wk, bk, Wv, bv, We, be,
              Wskip, bskip, fc_W, fc_b):
    # AtomEncoder: sum of per-feature embedding lookups
    h = jnp.zeros((N, H), jnp.float32)
    for i in range(9):
        h = h + atom_tables[i][x[:, i]]
    # SignNet: sign-invariant Laplacian PE
    pe = _mlp(lap_pe, sign_W1, sign_b1, sign_W2, sign_b2) + _mlp(-lap_pe, sign_W1, sign_b1, sign_W2, sign_b2)
    h = h + pe
    # RWSE MLP
    h = h + _mlp(rwse, rw_W1, rw_b1, rw_W2, rw_b2)
    # CustomBondEncoder: sum of 3 embedding lookups
    eemb = bond_t0[edge_attr[:, 0]] + bond_t1[edge_attr[:, 1]] + bond_t2[edge_attr[:, 2]]
    src = edge_index[0]
    dst = edge_index[1]
    for l in range(L):
        h = jax.nn.relu(_tconv(h, src, dst, eemb, Wq[l], bq[l], Wk[l], bk[l], Wv[l], bv[l], We[l], be[l], Wskip[l], bskip[l]))
    # global mean pool over graphs
    cnt = jax.ops.segment_sum(jnp.ones((N,), jnp.float32), batch, num_segments=G)
    pooled = jax.ops.segment_sum(h, batch, num_segments=G) / jnp.maximum(cnt, 1.0)[:, None]
    return pooled @ fc_W + fc_b

if __name__ == "__main__":
    import jax
    _d = setup_inputs()
    print(jax.jit(kernel)(*tuple(_d.values())))

</pallas_src>

<mosaic_0001>
#map = affine_map<(d0, d1) -> (0, 0)>
#map1 = affine_map<(d0, d1) -> (0, 0, 0)>
module attributes {stable_mosaic.version = 14 : i64} {
  func.func @gath(%arg0: i32, %arg1: i32, %arg2: memref<50000x128xf32, #tpu.memory_space<hbm>>, %arg3: memref<50000x128xf32, #tpu.memory_space<hbm>>, %arg4: memref<125x1x6400xi32, #tpu.memory_space<hbm>>, %arg5: memref<125x1x6400xi32, #tpu.memory_space<hbm>>, %arg6: memref<800000x128xf32, #tpu.memory_space<hbm>>, %arg7: memref<800000x128xf32, #tpu.memory_space<hbm>>, %arg8: memref<256xi32, #tpu.memory_space<vmem>>, %arg9: memref<256x128xf32, #tpu.memory_space<vmem>>, %arg10: memref<256xi32, #tpu.memory_space<vmem>>, %arg11: memref<256x128xf32, #tpu.memory_space<vmem>>, %arg12: memref<!tpu.dma_semaphore, #tpu.memory_space<semaphore_mem>>) attributes {dimension_semantics = [#tpu.dimension_semantics<core_parallel>, #tpu.dimension_semantics<subcore_parallel>], iteration_bounds = array<i64: 2, 16>, scalar_prefetch = 0 : i64, scratch_operands = 5 : i64, tpu.core_type = #tpu.core_type<sc_vector_subcore>, window_params = [{transform_indices = #map}, {transform_indices = #map}, {transform_indices = #map1}, {transform_indices = #map1}, {transform_indices = #map}, {transform_indices = #map}]} {
    %mul3A = arith.constant 2 : i32
    %mul3A_0 = arith.muli %arg1, %mul3A : i32
    %add3A = arith.addi %mul3A_0, %arg0 : i32
    %sub3A = arith.constant 125 : i32
    %sub3A_1 = arith.subi %sub3A, %add3A : i32
    %sub3A_2 = arith.constant 32 : i32
    %sub3A_3 = arith.constant 1 : i32
    %sub3A_4 = arith.subi %sub3A_2, %sub3A_3 : i32
    %add3A_5 = arith.addi %sub3A_1, %sub3A_4 : i32
    %div3A = arith.constant 32 : i32
    %div3A_6 = arith.divsi %add3A_5, %div3A : i32
    %while3A = arith.constant 32 : i32
    %while3A_7 = arith.constant 0 : i32
    %while3A_8 = arith.subi %div3A_6, %while3A_7 : i32
    %while3A_9 = arith.addi %while3A_7, %while3A_8 : i32
    %while3A_10 = arith.constant 1 : i32
    %while3A_11 = arith.divsi %while3A_8, %while3A_10 : i32
    %while3A_12 = arith.muli %while3A_11, %while3A_10 : i32
    %while3A_13 = arith.addi %while3A_7, %while3A_12 : i32
    %while3A_14 = arith.constant 1 : i32
    scf.for %while3A_16 = %while3A_7 to %while3A_13 step %while3A_14  : i32 {
      %mul3A_17 = arith.muli %while3A_16, %while3A : i32
      %add3A_18 = arith.addi %add3A, %mul3A_17 : i32
      %scan3A = arith.constant 0 : i32
      %scan3A_19 = arith.constant 25 : i32
      %scan3A_20 = arith.addi %scan3A, %scan3A_19 : i32
      %scan3A_21 = arith.constant 1 : i32
      scf.for %scan3A_23 = %scan3A to %scan3A_20 step %scan3A_21  : i32 {
        %mul3A_24 = arith.constant 256 : i32
        %mul3A_25 = arith.muli %scan3A_23, %mul3A_24 : i32
        %add3A_26 = arith.constant 0 : i32
        %add3A_27 = arith.addi %add3A_26, %mul3A_25 : i32
        %mul3A_28 = arith.constant 6400 : i32
        %mul3A_29 = arith.muli %add3A_18, %mul3A_28 : i32
        %add3A_30 = arith.addi %mul3A_29, %add3A_27 : i32
        %run_scoped3A = arith.constant 0 : i32
        "tpu.region"() ({
          %run_scoped3A_42 = tpu.sem_alloc : memref<!tpu.dma_semaphore, #tpu.memory_space<semaphore_mem>>
          %dma_start3A_43 = tpu.memref_slice %arg5[%add3A_18, %run_scoped3A, %add3A_27] : memref<125x1x6400xi32, #tpu.memory_space<hbm>> -> memref<1x1x256xi32, #tpu.memory_space<hbm>>
          %dma_start3A_44 = tpu.memref_squeeze %dma_start3A_43 : memref<1x1x256xi32, #tpu.memory_space<hbm>> -> memref<256xi32, #tpu.memory_space<hbm>>
          %dma_start3A_45 = tpu.memref_slice %arg5[%add3A_18, %run_scoped3A, %add3A_27] : memref<125x1x6400xi32, #tpu.memory_space<hbm>> -> memref<1x1x256xi32, #tpu.memory_space<hbm>>
          %dma_start3A_46 = tpu.memref_squeeze %dma_start3A_45 : memref<1x1x256xi32, #tpu.memory_space<hbm>> -> memref<256xi32, #tpu.memory_space<hbm>>
          tpu.enqueue_dma source(%dma_start3A_46 : memref<256xi32, #tpu.memory_space<hbm>>) target(%arg8 : memref<256xi32, #tpu.memory_space<vmem>>) target_semaphore(%run_scoped3A_42 : memref<!tpu.dma_semaphore, #tpu.memory_space<semaphore_mem>>)
          %dma_wait3A_47 = tpu.memref_slice %arg5[%add3A_18, %run_scoped3A, %add3A_27] : memref<125x1x6400xi32, #tpu.memory_space<hbm>> -> memref<1x1x256xi32, #tpu.memory_space<hbm>>
          %dma_wait3A_48 = tpu.memref_squeeze %dma_wait3A_47 : memref<1x1x256xi32, #tpu.memory_space<hbm>> -> memref<256xi32, #tpu.memory_space<hbm>>
          %dma_wait3A_49 = tpu.memref_slice %arg5[%add3A_18, %run_scoped3A, %add3A_27] : memref<125x1x6400xi32, #tpu.memory_space<hbm>> -> memref<1x1x256xi32, #tpu.memory_space<hbm>>
          %dma_wait3A_50 = tpu.memref_squeeze %dma_wait3A_49 : memref<1x1x256xi32, #tpu.memory_space<hbm>> -> memref<256xi32, #tpu.memory_space<hbm>>
          tpu.wait_dma2 semaphore(%run_scoped3A_42 : memref<!tpu.dma_semaphore, #tpu.memory_space<semaphore_mem>>) src(%dma_wait3A_50 : memref<256xi32, #tpu.memory_space<hbm>>) dst(%arg8 : memref<256xi32, #tpu.memory_space<vmem>>)
          tpu.yield
        }) : () -> ()
        %dma_start3A = arith.constant 0 : i32
        %dma_start3A_31 = arith.constant 0 : i32
        %dma_start3A_32 = tpu.memref_slice %arg2[%dma_start3A, %dma_start3A_31] : memref<50000x128xf32, #tpu.memory_space<hbm>> -> memref<50000x128xf32, #tpu.memory_space<hbm>>
        tpu.enqueue_indirect_dma source(%dma_start3A_32 : memref<50000x128xf32, #tpu.memory_space<hbm>>) target(%arg9 : memref<256x128xf32, #tpu.memory_space<vmem>>) offsets(%arg8 : memref<256xi32, #tpu.memory_space<vmem>>) semaphore(%arg12 : memref<!tpu.dma_semaphore, #tpu.memory_space<semaphore_mem>>)
        %dma_wait3A = arith.constant 0 : i32
        %dma_wait3A_33 = arith.constant 0 : i32
        %dma_wait3A_34 = tpu.memref_slice %arg2[%dma_wait3A, %dma_wait3A_33] : memref<50000x128xf32, #tpu.memory_space<hbm>> -> memref<50000x128xf32, #tpu.memory_space<hbm>>
        tpu.wait_indirect_dma semaphore(%arg12 : memref<!tpu.dma_semaphore, #tpu.memory_space<semaphore_mem>>) src(%dma_wait3A_34 : memref<50000x128xf32, #tpu.memory_space<hbm>>) dst(%arg9 : memref<256x128xf32, #tpu.memory_space<vmem>>)
        "tpu.region"() ({
          %run_scoped3A_42 = tpu.sem_alloc : memref<!tpu.dma_semaphore, #tpu.memory_space<semaphore_mem>>
          %dma_start3A_43 = arith.constant 0 : i32
          %dma_start3A_44 = tpu.memref_slice %arg6[%add3A_30, %dma_start3A_43] : memref<800000x128xf32, #tpu.memory_space<hbm>> -> memref<256x128xf32, #tpu.memory_space<hbm>>
          %dma_start3A_45 = arith.constant 0 : i32
          %dma_start3A_46 = tpu.memref_slice %arg6[%add3A_30, %dma_start3A_45] : memref<800000x128xf32, #tpu.memory_space<hbm>> -> memref<256x128xf32, #tpu.memory_space<hbm>>
          tpu.enqueue_dma source(%arg9 : memref<256x128xf32, #tpu.memory_space<vmem>>) target(%dma_start3A_46 : memref<256x128xf32, #tpu.memory_space<hbm>>) target_semaphore(%run_scoped3A_42 : memref<!tpu.dma_semaphore, #tpu.memory_space<semaphore_mem>>)
          %dma_wait3A_47 = arith.constant 0 : i32
          %dma_wait3A_48 = tpu.memref_slice %arg6[%add3A_30, %dma_wait3A_47] : memref<800000x128xf32, #tpu.memory_space<hbm>> -> memref<256x128xf32, #tpu.memory_space<hbm>>
          %dma_wait3A_49 = arith.constant 0 : i32
          %dma_wait3A_50 = tpu.memref_slice %arg6[%add3A_30, %dma_wait3A_49] : memref<800000x128xf32, #tpu.memory_space<hbm>> -> memref<256x128xf32, #tpu.memory_space<hbm>>
          tpu.wait_dma2 semaphore(%run_scoped3A_42 : memref<!tpu.dma_semaphore, #tpu.memory_space<semaphore_mem>>) src(%arg9 : memref<256x128xf32, #tpu.memory_space<vmem>>) dst(%dma_wait3A_50 : memref<256x128xf32, #tpu.memory_space<hbm>>)
          tpu.yield
        }) : () -> ()
        %run_scoped3A_35 = arith.constant 0 : i32
        "tpu.region"() ({
          %run_scoped3A_42 = tpu.sem_alloc : memref<!tpu.dma_semaphore, #tpu.memory_space<semaphore_mem>>
          %dma_start3A_43 = tpu.memref_slice %arg4[%add3A_18, %run_scoped3A_35, %add3A_27] : memref<125x1x6400xi32, #tpu.memory_space<hbm>> -> memref<1x1x256xi32, #tpu.memory_space<hbm>>
          %dma_start3A_44 = tpu.memref_squeeze %dma_start3A_43 : memref<1x1x256xi32, #tpu.memory_space<hbm>> -> memref<256xi32, #tpu.memory_space<hbm>>
          %dma_start3A_45 = tpu.memref_slice %arg4[%add3A_18, %run_scoped3A_35, %add3A_27] : memref<125x1x6400xi32, #tpu.memory_space<hbm>> -> memref<1x1x256xi32, #tpu.memory_space<hbm>>
          %dma_start3A_46 = tpu.memref_squeeze %dma_start3A_45 : memref<1x1x256xi32, #tpu.memory_space<hbm>> -> memref<256xi32, #tpu.memory_space<hbm>>
          tpu.enqueue_dma source(%dma_start3A_46 : memref<256xi32, #tpu.memory_space<hbm>>) target(%arg10 : memref<256xi32, #tpu.memory_space<vmem>>) target_semaphore(%run_scoped3A_42 : memref<!tpu.dma_semaphore, #tpu.memory_space<semaphore_mem>>)
          %dma_wait3A_47 = tpu.memref_slice %arg4[%add3A_18, %run_scoped3A_35, %add3A_27] : memref<125x1x6400xi32, #tpu.memory_space<hbm>> -> memref<1x1x256xi32, #tpu.memory_space<hbm>>
          %dma_wait3A_48 = tpu.memref_squeeze %dma_wait3A_47 : memref<1x1x256xi32, #tpu.memory_space<hbm>> -> memref<256xi32, #tpu.memory_space<hbm>>
          %dma_wait3A_49 = tpu.memref_slice %arg4[%add3A_18, %run_scoped3A_35, %add3A_27] : memref<125x1x6400xi32, #tpu.memory_space<hbm>> -> memref<1x1x256xi32, #tpu.memory_space<hbm>>
          %dma_wait3A_50 = tpu.memref_squeeze %dma_wait3A_49 : memref<1x1x256xi32, #tpu.memory_space<hbm>> -> memref<256xi32, #tpu.memory_space<hbm>>
          tpu.wait_dma2 semaphore(%run_scoped3A_42 : memref<!tpu.dma_semaphore, #tpu.memory_space<semaphore_mem>>) src(%dma_wait3A_50 : memref<256xi32, #tpu.memory_space<hbm>>) dst(%arg10 : memref<256xi32, #tpu.memory_space<vmem>>)
          tpu.yield
        }) : () -> ()
        %dma_start3A_36 = arith.constant 0 : i32
        %dma_start3A_37 = arith.constant 0 : i32
        %dma_start3A_38 = tpu.memref_slice %arg3[%dma_start3A_36, %dma_start3A_37] : memref<50000x128xf32, #tpu.memory_space<hbm>> -> memref<50000x128xf32, #tpu.memory_space<hbm>>
        tpu.enqueue_indirect_dma source(%dma_start3A_38 : memref<50000x128xf32, #tpu.memory_space<hbm>>) target(%arg11 : memref<256x128xf32, #tpu.memory_space<vmem>>) offsets(%arg10 : memref<256xi32, #tpu.memory_space<vmem>>) semaphore(%arg12 : memref<!tpu.dma_semaphore, #tpu.memory_space<semaphore_mem>>)
        %dma_wait3A_39 = arith.constant 0 : i32
        %dma_wait3A_40 = arith.constant 0 : i32
        %dma_wait3A_41 = tpu.memref_slice %arg3[%dma_wait3A_39, %dma_wait3A_40] : memref<50000x128xf32, #tpu.memory_space<hbm>> -> memref<50000x128xf32, #tpu.memory_space<hbm>>
        tpu.wait_indirect_dma semaphore(%arg12 : memref<!tpu.dma_semaphore, #tpu.memory_space<semaphore_mem>>) src(%dma_wait3A_41 : memref<50000x128xf32, #tpu.memory_space<hbm>>) dst(%arg11 : memref<256x128xf32, #tpu.memory_space<vmem>>)
        "tpu.region"() ({
          %run_scoped3A_42 = tpu.sem_alloc : memref<!tpu.dma_semaphore, #tpu.memory_space<semaphore_mem>>
          %dma_start3A_43 = arith.constant 0 : i32
          %dma_start3A_44 = tpu.memref_slice %arg7[%add3A_30, %dma_start3A_43] : memref<800000x128xf32, #tpu.memory_space<hbm>> -> memref<256x128xf32, #tpu.memory_space<hbm>>
          %dma_start3A_45 = arith.constant 0 : i32
          %dma_start3A_46 = tpu.memref_slice %arg7[%add3A_30, %dma_start3A_45] : memref<800000x128xf32, #tpu.memory_space<hbm>> -> memref<256x128xf32, #tpu.memory_space<hbm>>
          tpu.enqueue_dma source(%arg11 : memref<256x128xf32, #tpu.memory_space<vmem>>) target(%dma_start3A_46 : memref<256x128xf32, #tpu.memory_space<hbm>>) target_semaphore(%run_scoped3A_42 : memref<!tpu.dma_semaphore, #tpu.memory_space<semaphore_mem>>)
          %dma_wait3A_47 = arith.constant 0 : i32
          %dma_wait3A_48 = tpu.memref_slice %arg7[%add3A_30, %dma_wait3A_47] : memref<800000x128xf32, #tpu.memory_space<hbm>> -> memref<256x128xf32, #tpu.memory_space<hbm>>
          %dma_wait3A_49 = arith.constant 0 : i32
          %dma_wait3A_50 = tpu.memref_slice %arg7[%add3A_30, %dma_wait3A_49] : memref<800000x128xf32, #tpu.memory_space<hbm>> -> memref<256x128xf32, #tpu.memory_space<hbm>>
          tpu.wait_dma2 semaphore(%run_scoped3A_42 : memref<!tpu.dma_semaphore, #tpu.memory_space<semaphore_mem>>) src(%arg11 : memref<256x128xf32, #tpu.memory_space<vmem>>) dst(%dma_wait3A_50 : memref<256x128xf32, #tpu.memory_space<hbm>>)
          tpu.yield
        }) : () -> ()
      }
      %scan3A_22 = arith.constant 25 : i32
    }
    %while3A_15 = arith.constant 1 : i32
    scf.for %while3A_16 = %while3A_13 to %while3A_9 step %while3A_15  : i32 {
      %mul3A_17 = arith.muli %while3A_16, %while3A : i32
      %add3A_18 = arith.addi %add3A, %mul3A_17 : i32
      %scan3A = arith.constant 0 : i32
      %scan3A_19 = arith.constant 25 : i32
      %scan3A_20 = arith.addi %scan3A, %scan3A_19 : i32
      %scan3A_21 = arith.constant 1 : i32
      scf.for %scan3A_23 = %scan3A to %scan3A_20 step %scan3A_21  : i32 {
        %mul3A_24 = arith.constant 256 : i32
        %mul3A_25 = arith.muli %scan3A_23, %mul3A_24 : i32
        %add3A_26 = arith.constant 0 : i32
        %add3A_27 = arith.addi %add3A_26, %mul3A_25 : i32
        %mul3A_28 = arith.constant 6400 : i32
        %mul3A_29 = arith.muli %add3A_18, %mul3A_28 : i32
        %add3A_30 = arith.addi %mul3A_29, %add3A_27 : i32
        %run_scoped3A = arith.constant 0 : i32
        "tpu.region"() ({
          %run_scoped3A_42 = tpu.sem_alloc : memref<!tpu.dma_semaphore, #tpu.memory_space<semaphore_mem>>
          %dma_start3A_43 = tpu.memref_slice %arg5[%add3A_18, %run_scoped3A, %add3A_27] : memref<125x1x6400xi32, #tpu.memory_space<hbm>> -> memref<1x1x256xi32, #tpu.memory_space<hbm>>
          %dma_start3A_44 = tpu.memref_squeeze %dma_start3A_43 : memref<1x1x256xi32, #tpu.memory_space<hbm>> -> memref<256xi32, #tpu.memory_space<hbm>>
          %dma_start3A_45 = tpu.memref_slice %arg5[%add3A_18, %run_scoped3A, %add3A_27] : memref<125x1x6400xi32, #tpu.memory_space<hbm>> -> memref<1x1x256xi32, #tpu.memory_space<hbm>>
          %dma_start3A_46 = tpu.memref_squeeze %dma_start3A_45 : memref<1x1x256xi32, #tpu.memory_space<hbm>> -> memref<256xi32, #tpu.memory_space<hbm>>
          tpu.enqueue_dma source(%dma_start3A_46 : memref<256xi32, #tpu.memory_space<hbm>>) target(%arg8 : memref<256xi32, #tpu.memory_space<vmem>>) target_semaphore(%run_scoped3A_42 : memref<!tpu.dma_semaphore, #tpu.memory_space<semaphore_mem>>)
          %dma_wait3A_47 = tpu.memref_slice %arg5[%add3A_18, %run_scoped3A, %add3A_27] : memref<125x1x6400xi32, #tpu.memory_space<hbm>> -> memref<1x1x256xi32, #tpu.memory_space<hbm>>
          %dma_wait3A_48 = tpu.memref_squeeze %dma_wait3A_47 : memref<1x1x256xi32, #tpu.memory_space<hbm>> -> memref<256xi32, #tpu.memory_space<hbm>>
          %dma_wait3A_49 = tpu.memref_slice %arg5[%add3A_18, %run_scoped3A, %add3A_27] : memref<125x1x6400xi32, #tpu.memory_space<hbm>> -> memref<1x1x256xi32, #tpu.memory_space<hbm>>
          %dma_wait3A_50 = tpu.memref_squeeze %dma_wait3A_49 : memref<1x1x256xi32, #tpu.memory_space<hbm>> -> memref<256xi32, #tpu.memory_space<hbm>>
          tpu.wait_dma2 semaphore(%run_scoped3A_42 : memref<!tpu.dma_semaphore, #tpu.memory_space<semaphore_mem>>) src(%dma_wait3A_50 : memref<256xi32, #tpu.memory_space<hbm>>) dst(%arg8 : memref<256xi32, #tpu.memory_space<vmem>>)
          tpu.yield
        }) : () -> ()
        %dma_start3A = arith.constant 0 : i32
        %dma_start3A_31 = arith.constant 0 : i32
        %dma_start3A_32 = tpu.memref_slice %arg2[%dma_start3A, %dma_start3A_31] : memref<50000x128xf32, #tpu.memory_space<hbm>> -> memref<50000x128xf32, #tpu.memory_space<hbm>>
        tpu.enqueue_indirect_dma source(%dma_start3A_32 : memref<50000x128xf32, #tpu.memory_space<hbm>>) target(%arg9 : memref<256x128xf32, #tpu.memory_space<vmem>>) offsets(%arg8 : memref<256xi32, #tpu.memory_space<vmem>>) semaphore(%arg12 : memref<!tpu.dma_semaphore, #tpu.memory_space<semaphore_mem>>)
        %dma_wait3A = arith.constant 0 : i32
        %dma_wait3A_33 = arith.constant 0 : i32
        %dma_wait3A_34 = tpu.memref_slice %arg2[%dma_wait3A, %dma_wait3A_33] : memref<50000x128xf32, #tpu.memory_space<hbm>> -> memref<50000x128xf32, #tpu.memory_space<hbm>>
        tpu.wait_indirect_dma semaphore(%arg12 : memref<!tpu.dma_semaphore, #tpu.memory_space<semaphore_mem>>) src(%dma_wait3A_34 : memref<50000x128xf32, #tpu.memory_space<hbm>>) dst(%arg9 : memref<256x128xf32, #tpu.memory_space<vmem>>)
        "tpu.region"() ({
          %run_scoped3A_42 = tpu.sem_alloc : memref<!tpu.dma_semaphore, #tpu.memory_space<semaphore_mem>>
          %dma_start3A_43 = arith.constant 0 : i32
          %dma_start3A_44 = tpu.memref_slice %arg6[%add3A_30, %dma_start3A_43] : memref<800000x128xf32, #tpu.memory_space<hbm>> -> memref<256x128xf32, #tpu.memory_space<hbm>>
          %dma_start3A_45 = arith.constant 0 : i32
          %dma_start3A_46 = tpu.memref_slice %arg6[%add3A_30, %dma_start3A_45] : memref<800000x128xf32, #tpu.memory_space<hbm>> -> memref<256x128xf32, #tpu.memory_space<hbm>>
          tpu.enqueue_dma source(%arg9 : memref<256x128xf32, #tpu.memory_space<vmem>>) target(%dma_start3A_46 : memref<256x128xf32, #tpu.memory_space<hbm>>) target_semaphore(%run_scoped3A_42 : memref<!tpu.dma_semaphore, #tpu.memory_space<semaphore_mem>>)
          %dma_wait3A_47 = arith.constant 0 : i32
          %dma_wait3A_48 = tpu.memref_slice %arg6[%add3A_30, %dma_wait3A_47] : memref<800000x128xf32, #tpu.memory_space<hbm>> -> memref<256x128xf32, #tpu.memory_space<hbm>>
          %dma_wait3A_49 = arith.constant 0 : i32
          %dma_wait3A_50 = tpu.memref_slice %arg6[%add3A_30, %dma_wait3A_49] : memref<800000x128xf32, #tpu.memory_space<hbm>> -> memref<256x128xf32, #tpu.memory_space<hbm>>
          tpu.wait_dma2 semaphore(%run_scoped3A_42 : memref<!tpu.dma_semaphore, #tpu.memory_space<semaphore_mem>>) src(%arg9 : memref<256x128xf32, #tpu.memory_space<vmem>>) dst(%dma_wait3A_50 : memref<256x128xf32, #tpu.memory_space<hbm>>)
          tpu.yield
        }) : () -> ()
        %run_scoped3A_35 = arith.constant 0 : i32
        "tpu.region"() ({
          %run_scoped3A_42 = tpu.sem_alloc : memref<!tpu.dma_semaphore, #tpu.memory_space<semaphore_mem>>
          %dma_start3A_43 = tpu.memref_slice %arg4[%add3A_18, %run_scoped3A_35, %add3A_27] : memref<125x1x6400xi32, #tpu.memory_space<hbm>> -> memref<1x1x256xi32, #tpu.memory_space<hbm>>
          %dma_start3A_44 = tpu.memref_squeeze %dma_start3A_43 : memref<1x1x256xi32, #tpu.memory_space<hbm>> -> memref<256xi32, #tpu.memory_space<hbm>>
          %dma_start3A_45 = tpu.memref_slice %arg4[%add3A_18, %run_scoped3A_35, %add3A_27] : memref<125x1x6400xi32, #tpu.memory_space<hbm>> -> memref<1x1x256xi32, #tpu.memory_space<hbm>>
          %dma_start3A_46 = tpu.memref_squeeze %dma_start3A_45 : memref<1x1x256xi32, #tpu.memory_space<hbm>> -> memref<256xi32, #tpu.memory_space<hbm>>
          tpu.enqueue_dma source(%dma_start3A_46 : memref<256xi32, #tpu.memory_space<hbm>>) target(%arg10 : memref<256xi32, #tpu.memory_space<vmem>>) target_semaphore(%run_scoped3A_42 : memref<!tpu.dma_semaphore, #tpu.memory_space<semaphore_mem>>)
          %dma_wait3A_47 = tpu.memref_slice %arg4[%add3A_18, %run_scoped3A_35, %add3A_27] : memref<125x1x6400xi32, #tpu.memory_space<hbm>> -> memref<1x1x256xi32, #tpu.memory_space<hbm>>
          %dma_wait3A_48 = tpu.memref_squeeze %dma_wait3A_47 : memref<1x1x256xi32, #tpu.memory_space<hbm>> -> memref<256xi32, #tpu.memory_space<hbm>>
          %dma_wait3A_49 = tpu.memref_slice %arg4[%add3A_18, %run_scoped3A_35, %add3A_27] : memref<125x1x6400xi32, #tpu.memory_space<hbm>> -> memref<1x1x256xi32, #tpu.memory_space<hbm>>
          %dma_wait3A_50 = tpu.memref_squeeze %dma_wait3A_49 : memref<1x1x256xi32, #tpu.memory_space<hbm>> -> memref<256xi32, #tpu.memory_space<hbm>>
          tpu.wait_dma2 semaphore(%run_scoped3A_42 : memref<!tpu.dma_semaphore, #tpu.memory_space<semaphore_mem>>) src(%dma_wait3A_50 : memref<256xi32, #tpu.memory_space<hbm>>) dst(%arg10 : memref<256xi32, #tpu.memory_space<vmem>>)
          tpu.yield
        }) : () -> ()
        %dma_start3A_36 = arith.constant 0 : i32
        %dma_start3A_37 = arith.constant 0 : i32
        %dma_start3A_38 = tpu.memref_slice %arg3[%dma_start3A_36, %dma_start3A_37] : memref<50000x128xf32, #tpu.memory_space<hbm>> -> memref<50000x128xf32, #tpu.memory_space<hbm>>
        tpu.enqueue_indirect_dma source(%dma_start3A_38 : memref<50000x128xf32, #tpu.memory_space<hbm>>) target(%arg11 : memref<256x128xf32, #tpu.memory_space<vmem>>) offsets(%arg10 : memref<256xi32, #tpu.memory_space<vmem>>) semaphore(%arg12 : memref<!tpu.dma_semaphore, #tpu.memory_space<semaphore_mem>>)
        %dma_wait3A_39 = arith.constant 0 : i32
        %dma_wait3A_40 = arith.constant 0 : i32
        %dma_wait3A_41 = tpu.memref_slice %arg3[%dma_wait3A_39, %dma_wait3A_40] : memref<50000x128xf32, #tpu.memory_space<hbm>> -> memref<50000x128xf32, #tpu.memory_space<hbm>>
        tpu.wait_indirect_dma semaphore(%arg12 : memref<!tpu.dma_semaphore, #tpu.memory_space<semaphore_mem>>) src(%dma_wait3A_41 : memref<50000x128xf32, #tpu.memory_space<hbm>>) dst(%arg11 : memref<256x128xf32, #tpu.memory_space<vmem>>)
        "tpu.region"() ({
          %run_scoped3A_42 = tpu.sem_alloc : memref<!tpu.dma_semaphore, #tpu.memory_space<semaphore_mem>>
          %dma_start3A_43 = arith.constant 0 : i32
          %dma_start3A_44 = tpu.memref_slice %arg7[%add3A_30, %dma_start3A_43] : memref<800000x128xf32, #tpu.memory_space<hbm>> -> memref<256x128xf32, #tpu.memory_space<hbm>>
          %dma_start3A_45 = arith.constant 0 : i32
          %dma_start3A_46 = tpu.memref_slice %arg7[%add3A_30, %dma_start3A_45] : memref<800000x128xf32, #tpu.memory_space<hbm>> -> memref<256x128xf32, #tpu.memory_space<hbm>>
          tpu.enqueue_dma source(%arg11 : memref<256x128xf32, #tpu.memory_space<vmem>>) target(%dma_start3A_46 : memref<256x128xf32, #tpu.memory_space<hbm>>) target_semaphore(%run_scoped3A_42 : memref<!tpu.dma_semaphore, #tpu.memory_space<semaphore_mem>>)
          %dma_wait3A_47 = arith.constant 0 : i32
          %dma_wait3A_48 = tpu.memref_slice %arg7[%add3A_30, %dma_wait3A_47] : memref<800000x128xf32, #tpu.memory_space<hbm>> -> memref<256x128xf32, #tpu.memory_space<hbm>>
          %dma_wait3A_49 = arith.constant 0 : i32
          %dma_wait3A_50 = tpu.memref_slice %arg7[%add3A_30, %dma_wait3A_49] : memref<800000x128xf32, #tpu.memory_space<hbm>> -> memref<256x128xf32, #tpu.memory_space<hbm>>
          tpu.wait_dma2 semaphore(%run_scoped3A_42 : memref<!tpu.dma_semaphore, #tpu.memory_space<semaphore_mem>>) src(%arg11 : memref<256x128xf32, #tpu.memory_space<vmem>>) dst(%dma_wait3A_50 : memref<256x128xf32, #tpu.memory_space<hbm>>)
          tpu.yield
        }) : () -> ()
      }
      %scan3A_22 = arith.constant 25 : i32
    }
    return
  }
}

</mosaic_0001>

<sc_bundles>
// kernel: _sc_gather.3.cloned.1.call-start
scs
__scs_entry_jumppad:
0x0: {  	(pc) =	sbr.rel $0x88, $3  }
0x1: {  	(tag) =	ssettag $0x0;
	lr =	simm.s32 $0x1  }
0x2: {  	[smem:$0x3F9D] =	sst lr;
	_ =	strace $0xD0000000  }
0x3: {  	_ = 	snop  }
0x4: {  	_ = 	snop  }
0x5: {  	_ = 	snop  }
0x6: {  	_ = 	snop  }
0x7: {  	_ = 	snop  }
__scs_overlays_trampoline_lowered:
0x8: {  	[smem:$0x3FAC] =	sst s0  }
0x9: {  	[smem:$0x3FAD] =	sst s1  }
0xa: {  	[smem:$0x3FAE] =	sst s2  }
0xb: {  	[smem:$0x3FAF] =	sst s3  }
0xc: {  	[smem:$0x3FB0] =	sst s4  }
0xd: {  	[smem:$0x3FB1] =	sst s5  }
0xe: {  	[smem:$0x3FB2] =	sst s6  }
0xf: {  	[smem:$0x3FB3] =	sst s7  }
0x10: {  	[smem:$0x3FB4] =	sst s8  }
0x11: {  	[smem:$0x3FB5] =	sst s9;
	s0 =	simm.s32 @!p0 $0x0  }
0x12: {  	s1 =	sld [smem:$0x3F9B];
	s0 =	simm.s32 @p0 $0x1  }
0x13: {  	[smem:$0x3FB6] =	sst s0;
	s0 =	simm.s32 @!p1 $0x0  }
0x14: {  	s2 =	sld [smem:$0x3F9A];
	s0 =	simm.s32 @p1 $0x1  }
0x15: {  	[smem:$0x3FB7] =	sst s0;
	s0 =	simm.s32 @!p2 $0x0  }
0x16: {  	s3 =	sld [smem:$0x3FDB];
	s0 =	simm.s32 @p2 $0x1  }
0x17: {  	s4 =	simm.s32 $0x1BF5;
	[smem:$0x3FB9] =	sst s0  }
0x18: {  	s0 =	sld [smem:$0x3F9C];
	_ =	swait.ge [sflag:s4], $0x0  }
0x19: {  	s7 =	sld [smem:$0x3F9D]  }
0x1a: {  	s8 =	sadd.s32 $0xFFFFE003, lr  }
0x1b: {  	s9 =	sadd.s32 $0xFFFFFEF7, lr;
	s5 =	simm.s32 $0xFFFFFFFF;
	p2 =	slt.u32 s8, $0xFFFFF086  }
0x1c: {  	p1 =	slt.u32 s9, $0xF7A;
	s5 =	simm.s32 @!p2 $0x0  }
0x1d: {  	s5 =	simm.s32 @p1 $0x1;
	p0 =	seq.s32 s7, s2  }
0x1e: {  	s7 =	smul.u32 @!p0 $0xF7A, s2;
	p2 =	seq.s32 @!p0 s5, $0x0  }
0x1f: {  	s9 =	smul.u32 $0xF7A, s1;
	s8 =	simm.s32 @!p0 $0x1BF5;
	p2 =	por !p2, p0  }
0x20: {  	[sflag:s8] =	ssyncset.s32 @!p0 $0xFFFFF086;
	s6 =	sadd.s32 @!p0 s3, s7;
	s7 =	simm.s32 @!p0 $0x108  }
0x21: {  	s3 =	sadd.s32 s3, s9;
	s6 =	sadd.s32 @!p0 $0x88, s6;
	s7 =	simm.s32 @p2 $0x1082  }
0x22: {  	[simem:s7], [sflag:s8] =	dma.local @!p0 [hbm:s6], $0xF7A  }
0x23: {  	s9 =	sor.u32 $0xD0000000, s2;
	s6 =	simm.s32 $0x108;
	_ =	swait.ge @!p0 [sflag:s8], $0x0  }
0x24: {  	s3 =	sadd.s32 $0x88, s3;
	s6 =	simm.s32 @!p1 $0x1082;
	[sflag:s4] =	ssyncset.s32 $0xFFFFF086  }
0x25: {  	[simem:s6], [sflag:s4] =	dma.local [hbm:s3], $0xF7A  }
0x26: {  	[smem:$0x3F9D] =	sst s1;
	(tag) =	ssettag s2;
	_ =	strace s9  }
0x27: {  	s1 =	sld [smem:$0x3FAD]  }
0x28: {  	s2 =	sld [smem:$0x3FAE]  }
0x29: {  	s4 =	sld [smem:$0x3FB0]  }
0x2a: {  	p0 =	seq.s32 s5, $0x0;
	s5 =	sld [smem:$0x3FB1]  }
0x2b: {  	s6 =	sld [smem:$0x3FB2]  }
0x2c: {  	s7 =	sld [smem:$0x3FB3]  }
0x2d: {  	s3 =	simm.s32 $0x108;
	s8 =	sld [smem:$0x3FB4]  }
0x2e: {  	s3 =	simm.s32 @!p0 $0x1082;
	s9 =	sld [smem:$0x3FB5]  }
0x2f: {  	lr =	sadd.s32 s0, s3;
	s0 =	sld [smem:$0x3FAC]  }
0x30: {  	s3 =	sld [smem:$0x3FAF]  }
0x31: {  	[smem:$0x3FB8] =	sst s10  }
0x32: {  	s10 =	sld [smem:$0x3FB6];
	_ =	sdelay $0x3  }
0x33: {  	p0 =	seq.s32 s10, $0x1;
	s10 =	sld [smem:$0x3FB8];
	_ =	sdelay $0x3  }
0x34: {  	[smem:$0x3FB8] =	sst s10  }
0x35: {  	s10 =	sld [smem:$0x3FB7];
	_ =	sdelay $0x3  }
0x36: {  	p1 =	seq.s32 s10, $0x1;
	s10 =	sld [smem:$0x3FB8];
	_ =	sdelay $0x3  }
0x37: {  	[smem:$0x3FB8] =	sst s10  }
0x38: {  	s10 =	sld [smem:$0x3FB9]  }
0x39: {  	_ = 	snop;
	(pc) =	sbr.ind lr, $3  }
0x3a: {  	_ = 	snop  }
0x3b: {  	_ = 	snop  }
0x3c: {  	p2 =	seq.s32 s10, $0x1;
	s10 =	sld [smem:$0x3FB8]  }
0x3d: {  	_ =	shalt  }
0x3e: {  	_ =	shalt  }
0x3f: {  	_ =	shalt  }
0x40: {  	_ =	shalt  }
0x41: {  	_ =	shalt  }
0x42: {  	_ =	shalt  }
0x43: {  	_ =	shalt  }
0x44: {  	_ =	shalt  }
0x45: {  	_ =	shalt  }
0x46: {  	_ =	shalt  }
0x47: {  	_ =	shalt  }
0x48: {  	_ =	shalt  }
0x49: {  	_ =	shalt  }
0x4a: {  	_ =	shalt  }
0x4b: {  	_ =	shalt  }
0x4c: {  	_ =	shalt  }
0x4d: {  	_ =	shalt  }
0x4e: {  	_ =	shalt  }
0x4f: {  	_ =	shalt  }
0x50: {  	_ =	shalt  }
0x51: {  	_ =	shalt  }
0x52: {  	_ =	shalt  }
0x53: {  	_ =	shalt  }
0x54: {  	_ =	shalt  }
0x55: {  	_ =	shalt  }
0x56: {  	_ =	shalt  }
0x57: {  	_ =	shalt  }
0x58: {  	_ =	shalt  }
0x59: {  	_ =	shalt  }
0x5a: {  	_ =	shalt  }
0x5b: {  	_ =	shalt  }
0x5c: {  	_ =	shalt  }
0x5d: {  	_ =	shalt  }
0x5e: {  	_ =	shalt  }
0x5f: {  	_ =	shalt  }
0x60: {  	_ =	shalt  }
0x61: {  	_ =	shalt  }
0x62: {  	_ =	shalt  }
0x63: {  	_ =	shalt  }
0x64: {  	_ =	shalt  }
0x65: {  	_ =	shalt  }
0x66: {  	_ =	shalt  }
0x67: {  	_ =	shalt  }
0x68: {  	_ =	shalt  }
0x69: {  	_ =	shalt  }
0x6a: {  	_ =	shalt  }
0x6b: {  	_ =	shalt  }
0x6c: {  	_ =	shalt  }
0x6d: {  	_ =	shalt  }
0x6e: {  	_ =	shalt  }
0x6f: {  	_ =	shalt  }
0x70: {  	_ =	shalt  }
0x71: {  	_ =	shalt  }
0x72: {  	_ =	shalt  }
0x73: {  	_ =	shalt  }
0x74: {  	_ =	shalt  }
0x75: {  	_ =	shalt  }
0x76: {  	_ =	shalt  }
0x77: {  	_ =	shalt  }
0x78: {  	_ =	shalt  }
0x79: {  	_ =	shalt  }
0x7a: {  	_ =	shalt  }
0x7b: {  	_ =	shalt  }
0x7c: {  	_ =	shalt  }
0x7d: {  	_ =	shalt  }
0x7e: {  	_ =	shalt  }
0x7f: {  	_ =	shalt  }
0x80: {  	_ =	shalt  }
0x81: {  	_ =	shalt  }
0x82: {  	_ =	shalt  }
0x83: {  	_ =	shalt  }
0x84: {  	_ =	shalt  }
0x85: {  	_ =	shalt  }
0x86: {  	_ =	shalt  }
0x87: {  	_ =	shalt  }
.Lfunc_end0:
.L_simem_size_0:
called_computation_lowered:
.L_overlay_start_0:
0x88: {  	s2 =	sld [smem:$0x3FD9]  }
0x89: {  	s3 =	sld [smem:$0x3FFE];
	_ =	sdelay $0x1  }
0x8a: {  	s1 =	srdreg.scid  }
0x8b: {  	s0 =	sand.u32 $0x1, s1  }
0x8c: {  	s15 =	sshll.u32 s0, $0xA;
	s2 =	sadd.s32 s3, s2  }
0x8d: {  	s2 =	sadd.s32 s2, s15  }
0x8e: {  	[smem:$0x3FC4] =	sst s2  }
0x8f: {  	_ = 	snop  }
0x90: {  	s2 =	sld [smem:$0x3FC9]  }
0x91: {  	s16 =	sld [smem:$0x3FD0]  }
0x92: {  	s4 =	sld [smem:$0x3FC8]  }
0x93: {  	s5 =	sld [smem:$0x3FC7]  }
0x94: {  	s7 =	simm.s32 $0xA;
	s8 =	simm.s32 $0x10;
	s6 =	sld [smem:$0x3FC6]  }
0x95: {  	[smem:s8], [sflag:s7] =	dma.local [hbm:s16], $0x1  }
0x96: {  	_ =	swait.eq [sflag:s7], $0x1  }
0x97: {  	[sflag:s7] =	ssyncset.done $0x0  }
0x98: {  	s17 =	sld [smem:$0x10];
	[sflag:s7] =	ssyncadd.s32 $0xFFFFFFFF  }
0x99: {  	s18 =	sld [smem:$0x11];
	(tm) =	ssettm $0x1  }
0x9a: {  	s19 =	sld [smem:$0x3FFB];
	_ =	sdelay $0x3  }
0x9b: {  	_ =	strace s19  }
0x9c: {  	s8 =	sld [smem:$0x3FFC];
	_ =	sdelay $0x3  }
0x9d: {  	_ =	strace s8  }
0x9e: {  	s8 =	sld [smem:$0x3FFD];
	_ =	sdelay $0x3  }
0x9f: {  	_ =	strace s8  }
0xa0: {  	_ =	strace $0x8FFFFFFF  }
0xa1: {  	s20 =	sld [smem:$0x3FDB];
	_ =	sdelay $0x1  }
0xa2: {  	s9 =	simm.s32 $_scs_section_size  }
0xa3: {  	s10 =	simm.s32 $_size__tile_overlayer_lowered;
	s11 =	simm.s32 $_tile_overlayer_lowered  }
0xa4: {  	s23 =	simm.s32 $0x1BFF;
	s22 =	sshll.u32 s11, $0x1;
	s8 =	sadd.s32 s9, s20  }
0xa5: {  	s12 =	simm.s32 $0x0;
	s21 =	sshll.u32 s10, $0x1;
	s10 =	sadd.s32 s22, s8  }
0xa6: {  	[timem:s12], [sflag:s23] =	dma.local [hbm:s10], s21  }
0xa7: {  	_ =	swait.ge [sflag:s23], s21  }
0xa8: {  	s9 =	ssub.s32 $0x0, s21;
	[sflag:s23] =	ssyncset.done $0x0  }
0xa9: {  	[sflag:s23] =	ssyncadd.s32 s9;
	_ =	sdelay $0x1  }
0xaa: {  	s24 =	simm.s32 $0x1B8B  }
0xab: {  	_ =	swait.ge [sflag:s24], $0x1  }
0xac: {  	[sflag:s24] =	ssyncset.done $0x0  }
0xad: {  	s25 =	simm.s32 $0x1B8E;
	[sflag:s24] =	ssyncadd.s32 $0xFFFFFFFF  }
0xae: {  	s26 =	simm.s32 $execute0_lowered;
	[smem:$0x3FD2] =	sst s25  }
0xaf: {  	s9 =	sshll.u32 s26, $0x1;
	_ =	strace $0x80000046;
	[dreg:$0x1] =	wrdreg $0xFFFFFFFF  }
0xb0: {  	s28 =	simm.s32 $_size_execute0_lowered;
	s8 =	sadd.s32 s8, s9;
	[dreg:$0x0] =	wrdreg $0x0  }
0xb1: {  	s9 =	sshll.u32 s28, $0x1;
	[dreg:$0x2] =	wrdreg s8  }
0xb2: {  	[dreg:$0x3] =	wrdreg s9  }
0xb3: {  	[dreg:$0x4] =	wrdreg $0xC0  }
0xb4: {  	_ =	task [dreg:s12], $0x5FFFF  }
0xb5: {  	[dreg:$0x1] =	wrdreg $0xFFFFFFFF  }
0xb6: {  	[dreg:$0x0] =	wrdreg $0x60  }
0xb7: {  	[dreg:$0x2] =	wrdreg s2  }
0xb8: {  	[dreg:$0x3] =	wrdreg s4  }
0xb9: {  	[dreg:$0x4] =	wrdreg s5  }
0xba: {  	[dreg:$0x5] =	wrdreg s6  }
0xbb: {  	[dreg:$0x6] =	wrdreg s17  }
0xbc: {  	[dreg:$0x7] =	wrdreg s18  }
0xbd: {  	[dreg:$0x8] =	wrdreg $0x9  }
0xbe: {  	_ =	task.clear_ibuf [dreg:s12], $0x9FFFF;
	_ =	strace $0x90000046  }
0xbf: {  	s29 =	simm.s32 $0x9;
	_ =	strace $0x80000048  }
0xc0: {  	_ =	swait.ge [sflag:s29], $0x1  }
0xc1: {  	[sflag:s29] =	ssyncadd.s32 $0xFFFFFFFF  }
0xc2: {  	_ =	strace $0x90000048  }
0xc3: {  	_ =	sfence  }
0xc4: {  	s30 =	sld [smem:$0x0];
	_ =	sdelay $0x2  }
0xc5: {  	s31 =	sshll.u32 s1, $0xD;
	s1 =	sshrl.u32 s1, $0x2  }
0xc6: {  	s3 =	sand.u32 $0x4000, s31;
	s1 =	sadd.s32 s1, s30  }
0xc7: {  	s0 =	sor.u32 s3, s0;
	s1 =	sshll.u32 s1, $0x11  }
0xc8: {  	s0 =	sor.u32 s1, s0  }
0xc9: {  	s0 =	sadd.s32 $0x8F2B, s0  }
0xca: {  	[sflag:s0] =	ssyncadd.remote.s32 $0x1  }
0xcb: {  	_ =	sfence.sel $0xFFFF  }
0xcc: {  	[dreg:$0x0] =	wrdreg $0xFFFFFFFF;
	(pc) =	sbr.abs _section_cstart, $3  }
0xcd: {  	[dreg:$0x1] =	wrdreg $0xFFFFFFFF  }
0xce: {  	_ =	task.clear_ibuf [dreg:s12], $0x2FFFF;
	_ =	strace $0x9FFFFFFF  }
0xcf: {  	(tm) =	ssettm $0x7FFFFFFF  }
tec
execute0_lowered:
.L_overlay_start_1:
0x0: {  	(tag) =	ssettag $0x1  }
0x1: {  	s1 =	rddreg [dreg:$0x0]  }
0x2: {  	s2 =	rddreg [dreg:$0x1]  }
0x3: {  	s3 =	rddreg [dreg:$0x2]  }
0x4: {  	s4 =	rddreg [dreg:$0x3]  }
0x5: {  	s9 =	rddreg [dreg:$0x4]  }
0x6: {  	s10 =	rddreg [dreg:$0x5]  }
0x7: {  	s0 =	rddreg [dreg:$0x6];
	s6 =	simm.s32 $0x0;
	s7 =	srdreg.scid  }
0x8: {  	s5 =	stileid.u32;
	s16 =	simm.s32 $0x8200;
	s17 =	simm.s32 $0x0  }
0x9: {  	[smem:$0x7FF] =	sst s6;
	s8 =	sand.u32 $0x1, s7;
	s11 =	smul.u32 $0x3200, s5  }
0xa: {  	s29 =	sshll.u32 s5, $0x1;
	s15 =	smul.u32 $0x32000, s5;
	_ =	strace $0x80000047  }
0xb: {  	s12 =	ssub.s32 $0x2, s8;
	s7 =	sor.u32 s8, s29;
	s13 =	smul.u32 $0x1900, s8  }
0xc: {  	s30 =	smul.u32 $0x19000, s8;
	s14 =	sshrl.u32 s12, $0x1;
	s7 =	ssub.s32 $0x9C, s7  }
0xd: {  	s31 =	sadd.s32 s15, s9;
	s15 =	sadd.s32 s15, s10;
	s12 =	ssub.s32 s12, s14  }
0xe: {  	s7 =	sshrl.u32 s7, $0x5;
	s9 =	sadd.s32 s13, s11;
	s10 =	sadd.s32 s30, s31  }
0xf: {  	s11 =	sadd.s32 s30, s15;
	s13 =	simm.s32 $0x100;
	s14 =	simm.s32 $0x1  }
0x10: {  	s15 =	simm.s32 $0x8100;
	s8 =	smax.u32 s12, $0x1;
	s12 =	simm.s32 $0x2  }
.LBB2_1:
0x11: {  	s18 =	smov.u32 s11  }
0x12: {  	s19 =	smov.u32 s10;
	s20 =	smov.u32 s9;
	s21 =	simm.s32 $0x0  }
.LBB2_2:
0x13: {  	s22 =	sshrl.u32 s20, $0x3  }
0x14: {  	s23 =	sadd.s32 s4, s22  }
0x15: {  	[tilespmem:s6], [sflag:$0x2] =	stream.linear.gather [hbm4b:s23+s6], $0x100, $0x38;
	[tilespmem:$0x10200] =	vst v63  }
0x16: {  	_ =	swait.ge [sflag:s12], $0x100  }
0x17: {  	[sflag:s12] =	ssyncset.done $0x0  }
0x18: {  	[sflag:s12] =	ssyncadd.s32 $0xFFFFFF00  }
0x19: {  	[tilespmem:s13], [sflag:$0x1] =	stream.indirect.gather [hbm4b:s1+s13], $0x80, s6, s13, $0xb8;
	[tilespmem:$0x10200] =	vst v63  }
0x1a: {  	_ =	swait.ge [sflag:s14], $0x8000  }
0x1b: {  	[sflag:s14] =	ssyncset.done $0x0  }
0x1c: {  	s30 =	sadd.s32 $0x0, s19;
	[sflag:s14] =	ssyncadd.s32 $0xFFFF8000  }
0x1d: {  	[hbm4b:s30+s6] =	stream.linear.scatter [tilespmem:s13], [sflag:$0x2], $0x8000, $0x38;
	[tilespmem:$0x10200] =	vst v63  }
0x1e: {  	_ =	swait.ge [sflag:s12], $0x8000  }
0x1f: {  	[sflag:s12] =	ssyncset.done $0x0  }
0x20: {  	s22 =	sadd.s32 s3, s22;
	[sflag:s12] =	ssyncadd.s32 $0xFFFF8000  }
0x21: {  	[tilespmem:s15], [sflag:$0x2] =	stream.linear.gather [hbm4b:s22+s6], $0x100, $0x38;
	[tilespmem:$0x10200] =	vst v63  }
0x22: {  	_ =	swait.ge [sflag:s12], $0x100  }
0x23: {  	[sflag:s12] =	ssyncset.done $0x0  }
0x24: {  	[sflag:s12] =	ssyncadd.s32 $0xFFFFFF00  }
0x25: {  	[tilespmem:s16], [sflag:$0x1] =	stream.indirect.gather [hbm4b:s2+s13], $0x80, s15, s13, $0xb8;
	[tilespmem:$0x10200] =	vst v63  }
0x26: {  	_ =	swait.ge [sflag:s14], $0x8000  }
0x27: {  	[sflag:s14] =	ssyncset.done $0x0  }
0x28: {  	s31 =	sadd.s32 $0x0, s18;
	[sflag:s14] =	ssyncadd.s32 $0xFFFF8000  }
0x29: {  	[hbm4b:s31+s6] =	stream.linear.scatter [tilespmem:s16], [sflag:$0x2], $0x8000, $0x38;
	[tilespmem:$0x10200] =	vst v63  }
0x2a: {  	s24 =	simm.s32 $0x2000;
	s23 =	sadd.s32 $0x100, s20;
	_ =	swait.ge [sflag:s12], $0x8000  }
0x2b: {  	s25 =	sshrl.u32 s23, $0x3;
	s22 =	simm.s32 $0x1000;
	[sflag:s12] =	ssyncset.done $0x0  }
.LBB2_3:
0x2c: {  	p0 =	sne.s32 s24, $0x18000;
	s26 =	sadd.s32 s4, s25;
	[sflag:s12] =	ssyncadd.s32 $0xFFFF8000  }
0x2d: {  	[tilespmem:s6], [sflag:$0x2] =	stream.linear.gather [hbm4b:s26+s6], $0x100, $0x38;
	[tilespmem:$0x10200] =	vst v63  }
0x2e: {  	s26 =	smov.u32 s24;
	s24 =	sadd.s32 $0x1000, s24;
	_ =	swait.ge [sflag:s12], $0x100  }
0x2f: {  	[sflag:s12] =	ssyncset.done $0x0  }
0x30: {  	[sflag:s12] =	ssyncadd.s32 $0xFFFFFF00  }
0x31: {  	[tilespmem:s13], [sflag:$0x1] =	stream.indirect.gather [hbm4b:s1+s13], $0x80, s6, s13, $0xb8;
	[tilespmem:$0x10200] =	vst v63  }
0x32: {  	_ =	swait.ge [sflag:s14], $0x8000  }
0x33: {  	[sflag:s14] =	ssyncset.done $0x0  }
0x34: {  	s28 =	sadd.s32 s22, s19;
	[sflag:s14] =	ssyncadd.s32 $0xFFFF8000  }
0x35: {  	[hbm4b:s28+s6] =	stream.linear.scatter [tilespmem:s13], [sflag:$0x2], $0x8000, $0x38;
	[tilespmem:$0x10200] =	vst v63  }
0x36: {  	_ =	swait.ge [sflag:s12], $0x8000  }
0x37: {  	[sflag:s12] =	ssyncset.done $0x0  }
0x38: {  	s25 =	sadd.s32 s3, s25;
	[sflag:s12] =	ssyncadd.s32 $0xFFFF8000  }
0x39: {  	[tilespmem:s15], [sflag:$0x2] =	stream.linear.gather [hbm4b:s25+s6], $0x100, $0x38;
	[tilespmem:$0x10200] =	vst v63  }
0x3a: {  	_ =	swait.ge [sflag:s12], $0x100  }
0x3b: {  	[sflag:s12] =	ssyncset.done $0x0  }
0x3c: {  	[sflag:s12] =	ssyncadd.s32 $0xFFFFFF00  }
0x3d: {  	[tilespmem:s16], [sflag:$0x1] =	stream.indirect.gather [hbm4b:s2+s13], $0x80, s15, s13, $0xb8;
	[tilespmem:$0x10200] =	vst v63  }
0x3e: {  	_ =	swait.ge [sflag:s14], $0x8000  }
.Ltmp0:
0x3f: {  	[sflag:s14] =	ssyncset.done $0x0;
	(pc) =	sbr.rel @p0 .LBB2_3-.Ltmp0, $4  }
0x40: {  	s25 =	sadd.s32 s22, s18;
	s22 =	smov.u32 s26;
	[sflag:s14] =	ssyncadd.s32 $0xFFFF8000  }
0x41: {  	[hbm4b:s25+s6] =	stream.linear.scatter [tilespmem:s16], [sflag:$0x2], $0x8000, $0x38;
	[tilespmem:$0x10200] =	vst v63  }
0x42: {  	s23 =	sadd.s32 $0x100, s23;
	_ =	swait.ge [sflag:s12], $0x8000  }
0x43: {  	s25 =	sshrl.u32 s23, $0x3;
	[sflag:s12] =	ssyncset.done $0x0  }
0x44: {  	s23 =	sadd.s32 s4, s25;
	[sflag:s12] =	ssyncadd.s32 $0xFFFF8000  }
0x45: {  	[tilespmem:s6], [sflag:$0x2] =	stream.linear.gather [hbm4b:s23+s6], $0x100, $0x38;
	[tilespmem:$0x10200] =	vst v63  }
0x46: {  	_ =	swait.ge [sflag:s12], $0x100  }
0x47: {  	[sflag:s12] =	ssyncset.done $0x0  }
0x48: {  	[sflag:s12] =	ssyncadd.s32 $0xFFFFFF00  }
0x49: {  	[tilespmem:s13], [sflag:$0x1] =	stream.indirect.gather [hbm4b:s1+s13], $0x80, s6, s13, $0xb8;
	[tilespmem:$0x10200] =	vst v63  }
0x4a: {  	_ =	swait.ge [sflag:s14], $0x8000  }
0x4b: {  	[sflag:s14] =	ssyncset.done $0x0  }
0x4c: {  	s29 =	sadd.s32 s22, s19;
	[sflag:s14] =	ssyncadd.s32 $0xFFFF8000  }
0x4d: {  	[hbm4b:s29+s6] =	stream.linear.scatter [tilespmem:s13], [sflag:$0x2], $0x8000, $0x38;
	[tilespmem:$0x10200] =	vst v63  }
0x4e: {  	_ =	swait.ge [sflag:s12], $0x8000  }
0x4f: {  	[sflag:s12] =	ssyncset.done $0x0  }
0x50: {  	s30 =	sadd.s32 s3, s25;
	[sflag:s12] =	ssyncadd.s32 $0xFFFF8000  }
0x51: {  	[tilespmem:s15], [sflag:$0x2] =	stream.linear.gather [hbm4b:s30+s6], $0x100, $0x38;
	[tilespmem:$0x10200] =	vst v63  }
0x52: {  	_ =	swait.ge [sflag:s12], $0x100  }
0x53: {  	[sflag:s12] =	ssyncset.done $0x0  }
0x54: {  	[sflag:s12] =	ssyncadd.s32 $0xFFFFFF00  }
0x55: {  	[tilespmem:s16], [sflag:$0x1] =	stream.indirect.gather [hbm4b:s2+s13], $0x80, s15, s13, $0xb8;
	[tilespmem:$0x10200] =	vst v63  }
0x56: {  	s21 =	sadd.s32 $0x1, s21;
	_ =	swait.ge [sflag:s14], $0x8000  }
0x57: {  	p0 =	sne.s32 s21, s7;
	[sflag:s14] =	ssyncset.done $0x0  }
.Ltmp1:
0x58: {  	s31 =	sadd.s32 s22, s18;
	[sflag:s14] =	ssyncadd.s32 $0xFFFF8000;
	(pc) =	sbr.rel @p0 .LBB2_2-.Ltmp1, $4  }
0x59: {  	[hbm4b:s31+s6] =	stream.linear.scatter [tilespmem:s16], [sflag:$0x2], $0x8000, $0x38;
	[tilespmem:$0x10200] =	vst v63  }
0x5a: {  	_ =	swait.ge [sflag:s12], $0x8000  }
0x5b: {  	s20 =	sadd.s32 $0x32000, s20;
	[sflag:s12] =	ssyncset.done $0x0  }
0x5c: {  	s19 =	sadd.s32 $0x320000, s19;
	s18 =	sadd.s32 $0x320000, s18;
	[sflag:s12] =	ssyncadd.s32 $0xFFFF8000  }
0x5d: {  	s17 =	sadd.s32 $0x1, s17  }
0x5e: {  	p0 =	sne.s32 s17, s8  }
.Ltmp2:
0x5f: {  	_ = 	snop;
	(pc) =	sbr.rel @p0 .LBB2_1-.Ltmp2, $1  }
0x60: {  	_ =	sdelay $0x3  }
0x61: {  	_ =	sfence.sel $0x180000  }
0x62: {  	[bflag:$0x0] =	sbarrier.arrive $0xFFFF  }
0x63: {  	p0 =	sne.s32 s5, $0x0;
	_ =	strace $0x90000047  }
0x64: {  	s0 =	sadd.s32 @!p0 $0x100000, s0;
	[bflag:$0x2] =	sbarrier.arrive $0xFFFF  }
0x65: {  	[sflag:s0] =	ssyncadd.tile.s32 @!p0 $0x1;
	_ =	shalt  }
.Lfunc_end2:
_tile_overlayer_lowered:
.L_overlay_start_2:
0x66: {  	(tag) =	ssettag $0x2  }
0x67: {  	s0 =	rddreg [dreg:$0x0];
	s2 =	stileid.u32  }
0x68: {  	s1 =	rddreg [dreg:$0x1];
	p0 =	sne.s32 s2, $0x0  }
0x69: {  	s3 =	rddreg [dreg:$0x2];
	[bflag:$0x3] =	sbarrier.arrive $0xFFFF;
	s2 =	simm.s32 @!p0 $0x1C02  }
0x6a: {  	[timem:s3], [sflag:s2] =	dma.local @!p0 [hbm:s0], s1  }
0x6b: {  	s0 =	simm.s32 @!p0 $0x2  }
0x6c: {  	_ =	swait.ge @!p0 [sflag:s0], s1  }
0x6d: {  	s1 =	ssub.s32 @!p0 $0x0, s1;
	[sflag:s0] =	ssyncset.done @!p0 $0x0  }
0x6e: {  	[sflag:s0] =	ssyncadd.s32 @!p0 s1  }
0x6f: {  	[bflag:$0x3] =	sbarrier.arrive $0xFFFF  }
0x70: {  	_ =	shalt  }

</sc_bundles>
